<compile_context>
chip_gen: v7x
topology: tpu7x:2x2x1
jax: 0.10.2.dev20260603
libtpu: 0.0.44.dev20260713+nightly
codegen_flags: <defaults>
</compile_context>

<pallas_src>
import jax
import jax.numpy as jnp
from jax import lax
from jax.experimental import pallas as pl
from jax.experimental.pallas import tpu as pltpu
from jax.experimental.pallas import tpu_sc as plsc

_NC = 2
_NS = 16
_B = 16384
_D = 64
_V = 1000000
_DPC = _D // _NC
_BPT = _B // _NS
_GC = 1024
_NGC = _BPT // _GC
_OW = _BPT + 16
_REG = 0.0001


def _gather_chunks(src_sh, idx_v, dst_v, sem):
    cps = []
    for c in range(_NGC):
        sl = pl.ds(c * _GC, _GC)
        cps.append(pltpu.async_copy(src_sh.at[idx_v.at[sl]], dst_v.at[sl], sem))
    return cps


def _sc_body(idx_hbm, ut_hbm, it_hbm, out_hbm,
             idx_u, idx_p, idx_n, ue_v, pe_v, ne_v,
             acc_v, sq_v, row_sh, gsem, ssem):
    c = lax.axis_index("c")
    s = lax.axis_index("s")
    d0 = c * _DPC

    pltpu.sync_copy(idx_hbm.at[pl.ds(s * _BPT, _BPT)], idx_u)
    pltpu.sync_copy(idx_hbm.at[pl.ds(_B + s * _BPT, _BPT)], idx_p)
    pltpu.sync_copy(idx_hbm.at[pl.ds(2 * _B + s * _BPT, _BPT)], idx_n)

    def zero_body(k, _):
        acc_v[pl.ds(k * 16, 16)] = jnp.zeros((16,), jnp.float32)
        return 0
    lax.fori_loop(0, _BPT // 16, zero_body, 0)

    @pl.when(s == 0)
    def _():
        pltpu.async_copy(ut_hbm.at[d0], row_sh, ssem)

    def wait_stage():
        pltpu.make_async_copy(ut_hbm.at[0], row_sh, ssem).wait()

    def dim_body(dl, acc_sq):
        d = d0 + dl

        @pl.when(s == 0)
        def _():
            wait_stage()
        plsc.subcore_barrier()
        for cp in _gather_chunks(row_sh, idx_u, ue_v, gsem):
            cp.wait()
        plsc.subcore_barrier()
        @pl.when(s == 0)
        def _():
            pltpu.async_copy(it_hbm.at[d], row_sh, ssem)

        def squ_body(k, asq):
            ue = ue_v[pl.ds(k * 16, 16)]
            return asq + ue * ue
        acc_sq = lax.fori_loop(0, _BPT // 16, squ_body, acc_sq)

        @pl.when(s == 0)
        def _():
            wait_stage()
        plsc.subcore_barrier()
        cps = _gather_chunks(row_sh, idx_p, pe_v, gsem)
        cps += _gather_chunks(row_sh, idx_n, ne_v, gsem)
        for cp in cps:
            cp.wait()
        plsc.subcore_barrier()
        @pl.when((s == 0) & (dl + 1 < _DPC))
        def _():
            pltpu.async_copy(ut_hbm.at[d + 1], row_sh, ssem)

        def acc_body(k, asq):
            sl = pl.ds(k * 16, 16)
            ue = ue_v[sl]
            pe = pe_v[sl]
            ne = ne_v[sl]
            acc_v[sl] += ue * (pe - ne)
            return asq + pe * pe + ne * ne
        acc_sq = lax.fori_loop(0, _BPT // 16, acc_body, acc_sq)

        return acc_sq

    acc_sq = lax.fori_loop(0, _DPC, dim_body, jnp.zeros((16,), jnp.float32))

    sq_v[...] = acc_sq
    pltpu.sync_copy(acc_v, out_hbm.at[c, s, pl.ds(0, _BPT)])
    pltpu.sync_copy(sq_v, out_hbm.at[c, s, pl.ds(_BPT, 16)])


_sc_call = pl.kernel(
    _sc_body,
    out_type=jax.ShapeDtypeStruct((_NC, _NS, _OW), jnp.float32),
    mesh=plsc.VectorSubcoreMesh(core_axis_name="c", subcore_axis_name="s"),
    scratch_types=[
        pltpu.VMEM((_BPT,), jnp.int32),
        pltpu.VMEM((_BPT,), jnp.int32),
        pltpu.VMEM((_BPT,), jnp.int32),
        pltpu.VMEM((_BPT,), jnp.float32),
        pltpu.VMEM((_BPT,), jnp.float32),
        pltpu.VMEM((_BPT,), jnp.float32),
        pltpu.VMEM((_BPT,), jnp.float32),
        pltpu.VMEM((16,), jnp.float32),
        pltpu.VMEM_SHARED((_V,), jnp.float32),
        pltpu.SemaphoreType.DMA,
        pltpu.SemaphoreType.DMA,
    ],
    compiler_params=pltpu.CompilerParams(needs_layout_passes=False),
)


def _tc_body(diff_ref, sq_ref, out_ref):
    x = diff_ref[0] + diff_ref[1]
    sg = 1.0 / (1.0 + jnp.exp(-x))
    l = jnp.log(sg + 1e-10)
    bpr = -jnp.sum(l) / _B
    reg = _REG * jnp.sum(sq_ref[...]) / _B
    out_ref[0, 0] = bpr + reg


def kernel(u, pi, ni, user_emb, item_emb):
    idx = jnp.concatenate([u, pi, ni])
    part = _sc_call(idx, user_emb.T, item_emb.T)
    diff = part[:, :, :_BPT].reshape(2, 128, 128)
    sq = part[:, :, _BPT:].reshape(4, 128)
    out = pl.pallas_call(
        _tc_body,
        out_shape=jax.ShapeDtypeStruct((1, 1), jnp.float32),
        in_specs=[
            pl.BlockSpec(memory_space=pltpu.VMEM),
            pl.BlockSpec(memory_space=pltpu.VMEM),
        ],
        out_specs=pl.BlockSpec(memory_space=pltpu.SMEM),
    )(diff, sq)
    return out.reshape(())

# --- scband reference (transcript-rebuilt; emitter-appended) ---
"""Pipeline reference for scband-bprmf-78134045049013 (READ-ONLY COPY).

The authoritative reference and input builder live on the scoring server;
editing this copy changes nothing except your own understanding.
"""

import jax, jax.numpy as jnp
import numpy as np

NUM_USERS = 1000000
NUM_ITEMS = 1000000
DIM = 64
REG = 0.0001
BATCH = 16384

def setup_inputs(seed: int = 0) -> dict:
    key = jax.random.key(seed)
    k1, k2, k3, k4, k5 = jax.random.split(key, 5)
    u = jax.random.randint(k1, (BATCH,), 0, NUM_USERS, dtype=jnp.int64 if jax.config.read('jax_enable_x64') else jnp.int32).astype(jnp.int32)
    pi = jax.random.randint(k2, (BATCH,), 0, NUM_ITEMS).astype(jnp.int32)
    ni = jax.random.randint(k3, (BATCH,), 0, NUM_ITEMS).astype(jnp.int32)
    # xavier_uniform for (num_embeddings, dim): bound = sqrt(6/(fan_in+fan_out))
    bound_u = float(np.sqrt(6.0 / (NUM_USERS + DIM)))
    bound_i = float(np.sqrt(6.0 / (NUM_ITEMS + DIM)))
    user_emb = jax.random.uniform(k4, (NUM_USERS, DIM), minval=-bound_u, maxval=bound_u, dtype=jnp.float32)
    item_emb = jax.random.uniform(k5, (NUM_ITEMS, DIM), minval=-bound_i, maxval=bound_i, dtype=jnp.float32)
    return {"u": u, "pi": pi, "ni": ni, "user_emb": user_emb, "item_emb": item_emb}

def reference(u, pi, ni, user_emb, item_emb):
    ue = jnp.take(user_emb, u, axis=0)
    pe = jnp.take(item_emb, pi, axis=0)
    ne = jnp.take(item_emb, ni, axis=0)
    diff = jnp.sum(ue * pe, axis=1) - jnp.sum(ue * ne, axis=1)
    bpr = -jnp.mean(jnp.log(jax.nn.sigmoid(diff) + 1e-10))
    reg = REG * (jnp.sum(ue ** 2) + jnp.sum(pe ** 2) + jnp.sum(ne ** 2)) / u.shape[0]
    return bpr + reg

if __name__ == "__main__":
    import jax
    _d = setup_inputs()
    print(jax.jit(kernel)(*tuple(_d.values())))

</pallas_src>

<mosaic_0001>
#map = affine_map<(d0, d1) -> (0)>
#map1 = affine_map<(d0, d1) -> (0, 0)>
#map2 = affine_map<(d0, d1) -> (0, 0, 0)>
module attributes {stable_mosaic.version = 14 : i64} {
  func.func @_sc_body(%arg0: i32, %arg1: i32, %arg2: memref<49152xi32, #tpu.memory_space<hbm>>, %arg3: memref<64x1000000xf32, #tpu.memory_space<hbm>>, %arg4: memref<64x1000000xf32, #tpu.memory_space<hbm>>, %arg5: memref<2x16x1040xf32, #tpu.memory_space<hbm>>, %arg6: memref<1024xi32, #tpu.memory_space<vmem>>, %arg7: memref<1024xi32, #tpu.memory_space<vmem>>, %arg8: memref<1024xi32, #tpu.memory_space<vmem>>, %arg9: memref<1024xf32, #tpu.memory_space<vmem>>, %arg10: memref<1024xf32, #tpu.memory_space<vmem>>, %arg11: memref<1024xf32, #tpu.memory_space<vmem>>, %arg12: memref<1024xf32, #tpu.memory_space<vmem>>, %arg13: memref<16xf32, #tpu.memory_space<vmem>>, %arg14: memref<1000000xf32, #tpu.memory_space<vmem_shared>>, %arg15: memref<!tpu.dma_semaphore, #tpu.memory_space<semaphore_mem>>, %arg16: memref<!tpu.dma_semaphore, #tpu.memory_space<semaphore_mem>>) attributes {dimension_semantics = [#tpu.dimension_semantics<core_parallel>, #tpu.dimension_semantics<subcore_parallel>], iteration_bounds = array<i64: 2, 16>, scalar_prefetch = 0 : i64, scratch_operands = 11 : i64, tpu.core_type = #tpu.core_type<sc_vector_subcore>, window_params = [{transform_indices = #map}, {transform_indices = #map1}, {transform_indices = #map1}, {transform_indices = #map2}]} {
    %mul3A = arith.constant 32 : i32
    %mul3A_0 = arith.muli %arg0, %mul3A : i32
    %mul3A_1 = arith.constant 1024 : i32
    %mul3A_2 = arith.muli %arg1, %mul3A_1 : i32
    "tpu.region"() ({
      %run_scoped3A = tpu.sem_alloc : memref<!tpu.dma_semaphore, #tpu.memory_space<semaphore_mem>>
      %dma_start3A = tpu.memref_slice %arg2[%mul3A_2] : memref<49152xi32, #tpu.memory_space<hbm>> -> memref<1024xi32, #tpu.memory_space<hbm>>
      %dma_start3A_26 = tpu.memref_slice %arg2[%mul3A_2] : memref<49152xi32, #tpu.memory_space<hbm>> -> memref<1024xi32, #tpu.memory_space<hbm>>
      tpu.enqueue_dma source(%dma_start3A_26 : memref<1024xi32, #tpu.memory_space<hbm>>) target(%arg6 : memref<1024xi32, #tpu.memory_space<vmem>>) target_semaphore(%run_scoped3A : memref<!tpu.dma_semaphore, #tpu.memory_space<semaphore_mem>>)
      %dma_wait3A = tpu.memref_slice %arg2[%mul3A_2] : memref<49152xi32, #tpu.memory_space<hbm>> -> memref<1024xi32, #tpu.memory_space<hbm>>
      %dma_wait3A_27 = tpu.memref_slice %arg2[%mul3A_2] : memref<49152xi32, #tpu.memory_space<hbm>> -> memref<1024xi32, #tpu.memory_space<hbm>>
      tpu.wait_dma2 semaphore(%run_scoped3A : memref<!tpu.dma_semaphore, #tpu.memory_space<semaphore_mem>>) src(%dma_wait3A_27 : memref<1024xi32, #tpu.memory_space<hbm>>) dst(%arg6 : memref<1024xi32, #tpu.memory_space<vmem>>)
      tpu.yield
    }) : () -> ()
    %mul3A_3 = arith.constant 1024 : i32
    %mul3A_4 = arith.muli %arg1, %mul3A_3 : i32
    %add3A = arith.constant 16384 : i32
    %add3A_5 = arith.addi %add3A, %mul3A_4 : i32
    "tpu.region"() ({
      %run_scoped3A = tpu.sem_alloc : memref<!tpu.dma_semaphore, #tpu.memory_space<semaphore_mem>>
      %dma_start3A = tpu.memref_slice %arg2[%add3A_5] : memref<49152xi32, #tpu.memory_space<hbm>> -> memref<1024xi32, #tpu.memory_space<hbm>>
      %dma_start3A_26 = tpu.memref_slice %arg2[%add3A_5] : memref<49152xi32, #tpu.memory_space<hbm>> -> memref<1024xi32, #tpu.memory_space<hbm>>
      tpu.enqueue_dma source(%dma_start3A_26 : memref<1024xi32, #tpu.memory_space<hbm>>) target(%arg7 : memref<1024xi32, #tpu.memory_space<vmem>>) target_semaphore(%run_scoped3A : memref<!tpu.dma_semaphore, #tpu.memory_space<semaphore_mem>>)
      %dma_wait3A = tpu.memref_slice %arg2[%add3A_5] : memref<49152xi32, #tpu.memory_space<hbm>> -> memref<1024xi32, #tpu.memory_space<hbm>>
      %dma_wait3A_27 = tpu.memref_slice %arg2[%add3A_5] : memref<49152xi32, #tpu.memory_space<hbm>> -> memref<1024xi32, #tpu.memory_space<hbm>>
      tpu.wait_dma2 semaphore(%run_scoped3A : memref<!tpu.dma_semaphore, #tpu.memory_space<semaphore_mem>>) src(%dma_wait3A_27 : memref<1024xi32, #tpu.memory_space<hbm>>) dst(%arg7 : memref<1024xi32, #tpu.memory_space<vmem>>)
      tpu.yield
    }) : () -> ()
    %mul3A_6 = arith.constant 1024 : i32
    %mul3A_7 = arith.muli %arg1, %mul3A_6 : i32
    %add3A_8 = arith.constant 32768 : i32
    %add3A_9 = arith.addi %add3A_8, %mul3A_7 : i32
    "tpu.region"() ({
      %run_scoped3A = tpu.sem_alloc : memref<!tpu.dma_semaphore, #tpu.memory_space<semaphore_mem>>
      %dma_start3A = tpu.memref_slice %arg2[%add3A_9] : memref<49152xi32, #tpu.memory_space<hbm>> -> memref<1024xi32, #tpu.memory_space<hbm>>
      %dma_start3A_26 = tpu.memref_slice %arg2[%add3A_9] : memref<49152xi32, #tpu.memory_space<hbm>> -> memref<1024xi32, #tpu.memory_space<hbm>>
      tpu.enqueue_dma source(%dma_start3A_26 : memref<1024xi32, #tpu.memory_space<hbm>>) target(%arg8 : memref<1024xi32, #tpu.memory_space<vmem>>) target_semaphore(%run_scoped3A : memref<!tpu.dma_semaphore, #tpu.memory_space<semaphore_mem>>)
      %dma_wait3A = tpu.memref_slice %arg2[%add3A_9] : memref<49152xi32, #tpu.memory_space<hbm>> -> memref<1024xi32, #tpu.memory_space<hbm>>
      %dma_wait3A_27 = tpu.memref_slice %arg2[%add3A_9] : memref<49152xi32, #tpu.memory_space<hbm>> -> memref<1024xi32, #tpu.memory_space<hbm>>
      tpu.wait_dma2 semaphore(%run_scoped3A : memref<!tpu.dma_semaphore, #tpu.memory_space<semaphore_mem>>) src(%dma_wait3A_27 : memref<1024xi32, #tpu.memory_space<hbm>>) dst(%arg8 : memref<1024xi32, #tpu.memory_space<vmem>>)
      tpu.yield
    }) : () -> ()
    %scan3A = arith.constant 0 : i32
    %scan3A_10 = arith.constant 0 : i32
    %scan3A_11 = arith.constant 64 : i32
    %scan3A_12 = arith.addi %scan3A_10, %scan3A_11 : i32
    %scan3A_13 = arith.constant 1 : i32
    %scan3A_14 = scf.for %scan3A_26 = %scan3A_10 to %scan3A_12 step %scan3A_13 iter_args(%scan3A_27 = %scan3A) -> (i32)  : i32 {
      %broadcast_in_dim3A_28 = arith.constant 0.000000e+00 : f32
      %broadcast_in_dim3A_29 = vector.broadcast %broadcast_in_dim3A_28 : f32 to vector<16xf32>
      %mul3A_30 = arith.constant 16 : i32
      %mul3A_31 = arith.muli %scan3A_26, %mul3A_30 : i32
      %swap3A_32 = arith.index_cast %mul3A_31 : i32 to index
      %swap3A_33 = tpu.vector_load %arg12[%swap3A_32] {strides = array<i32>} : memref<1024xf32, #tpu.memory_space<vmem>>, vector<16xf32>,
      tpu.vector_store %arg12[%swap3A_32], %broadcast_in_dim3A_29 {strides = array<i32>} : memref<1024xf32, #tpu.memory_space<vmem>>, vector<16xf32>,
      %scan3A_34 = arith.constant 0 : i32
      scf.yield %scan3A_34 : i32
    }
    %scan3A_15 = arith.constant 64 : i32
    %eq3A = arith.constant 0 : i32
    %eq3A_16 = arith.cmpi eq, %arg1, %eq3A : i32
    %convert_element_type3A = arith.extui %eq3A_16 : i1 to i32
    %cond3A = arith.constant 0 : i32
    %cond3A_17 = arith.cmpi ne, %convert_element_type3A, %cond3A : i32
    scf.if %cond3A_17 {
      %dma_start3A = arith.constant 0 : i32
      %dma_start3A_26 = tpu.memref_slice %arg3[%mul3A_0, %dma_start3A] : memref<64x1000000xf32, #tpu.memory_space<hbm>> -> memref<1x1000000xf32, #tpu.memory_space<hbm>>
      %dma_start3A_27 = tpu.memref_squeeze %dma_start3A_26 : memref<1x1000000xf32, #tpu.memory_space<hbm>> -> memref<1000000xf32, #tpu.memory_space<hbm>>
      tpu.enqueue_dma source(%dma_start3A_27 : memref<1000000xf32, #tpu.memory_space<hbm>>) target(%arg14 : memref<1000000xf32, #tpu.memory_space<vmem_shared>>) target_semaphore(%arg16 : memref<!tpu.dma_semaphore, #tpu.memory_space<semaphore_mem>>)
    } else {
    }
    %broadcast_in_dim3A = arith.constant 0.000000e+00 : f32
    %broadcast_in_dim3A_18 = vector.broadcast %broadcast_in_dim3A : f32 to vector<16xf32>
    %scan3A_19 = arith.constant 0 : i32
    %scan3A_20 = arith.constant 32 : i32
    %scan3A_21 = arith.addi %scan3A_19, %scan3A_20 : i32
    %scan3A_22 = arith.constant 1 : i32
    %scan3A_23 = scf.for %scan3A_26 = %scan3A_19 to %scan3A_21 step %scan3A_22 iter_args(%scan3A_27 = %broadcast_in_dim3A_18) -> (vector<16xf32>)  : i32 {
      %add3A_28 = arith.addi %mul3A_0, %scan3A_26 : i32
      %eq3A_29 = arith.constant 0 : i32
      %eq3A_30 = arith.cmpi eq, %arg1, %eq3A_29 : i32
      %convert_element_type3A_31 = arith.extui %eq3A_30 : i1 to i32
      %cond3A_32 = arith.constant 0 : i32
      %cond3A_33 = arith.cmpi ne, %convert_element_type3A_31, %cond3A_32 : i32
      scf.if %cond3A_33 {
        %dma_wait3A_101 = arith.constant 0 : i32
        %dma_wait3A_102 = arith.constant 0 : i32
        %dma_wait3A_103 = tpu.memref_slice %arg3[%dma_wait3A_101, %dma_wait3A_102] : memref<64x1000000xf32, #tpu.memory_space<hbm>> -> memref<1x1000000xf32, #tpu.memory_space<hbm>>
        %dma_wait3A_104 = tpu.memref_squeeze %dma_wait3A_103 : memref<1x1000000xf32, #tpu.memory_space<hbm>> -> memref<1000000xf32, #tpu.memory_space<hbm>>
        tpu.wait_dma2 semaphore(%arg16 : memref<!tpu.dma_semaphore, #tpu.memory_space<semaphore_mem>>) src(%dma_wait3A_104 : memref<1000000xf32, #tpu.memory_space<hbm>>) dst(%arg14 : memref<1000000xf32, #tpu.memory_space<vmem_shared>>)
      } else {
      }
      %barrier3A = arith.constant 0 : index
      tpu.barrier barrier_id(%barrier3A)
      %dma_start3A = arith.constant 0 : i32
      %dma_start3A_34 = tpu.memref_slice %arg9[%dma_start3A] : memref<1024xf32, #tpu.memory_space<vmem>> -> memref<1024xf32, #tpu.memory_space<vmem>>
      %dma_start3A_35 = arith.constant 0 : i32
      %dma_start3A_36 = tpu.memref_slice %arg6[%dma_start3A_35] : memref<1024xi32, #tpu.memory_space<vmem>> -> memref<1024xi32, #tpu.memory_space<vmem>>
      %dma_start3A_37 = arith.constant 0 : i32
      %dma_start3A_38 = tpu.memref_slice %arg14[%dma_start3A_37] : memref<1000000xf32, #tpu.memory_space<vmem_shared>> -> memref<1000000xf32, #tpu.memory_space<vmem_shared>>
      tpu.enqueue_indirect_dma source(%dma_start3A_38 : memref<1000000xf32, #tpu.memory_space<vmem_shared>>) target(%dma_start3A_34 : memref<1024xf32, #tpu.memory_space<vmem>>) offsets(%dma_start3A_36 : memref<1024xi32, #tpu.memory_space<vmem>>) semaphore(%arg15 : memref<!tpu.dma_semaphore, #tpu.memory_space<semaphore_mem>>)
      %dma_wait3A = arith.constant 0 : i32
      %dma_wait3A_39 = tpu.memref_slice %arg9[%dma_wait3A] : memref<1024xf32, #tpu.memory_space<vmem>> -> memref<1024xf32, #tpu.memory_space<vmem>>
      %dma_wait3A_40 = arith.constant 0 : i32
      %dma_wait3A_41 = tpu.memref_slice %arg6[%dma_wait3A_40] : memref<1024xi32, #tpu.memory_space<vmem>> -> memref<1024xi32, #tpu.memory_space<vmem>>
      %dma_wait3A_42 = arith.constant 0 : i32
      %dma_wait3A_43 = tpu.memref_slice %arg14[%dma_wait3A_42] : memref<1000000xf32, #tpu.memory_space<vmem_shared>> -> memref<1000000xf32, #tpu.memory_space<vmem_shared>>
      tpu.wait_indirect_dma semaphore(%arg15 : memref<!tpu.dma_semaphore, #tpu.memory_space<semaphore_mem>>) src(%dma_wait3A_43 : memref<1000000xf32, #tpu.memory_space<vmem_shared>>) dst(%dma_wait3A_39 : memref<1024xf32, #tpu.memory_space<vmem>>)
      %barrier3A_44 = arith.constant 0 : index
      tpu.barrier barrier_id(%barrier3A_44)
      %eq3A_45 = arith.constant 0 : i32
      %eq3A_46 = arith.cmpi eq, %arg1, %eq3A_45 : i32
      %convert_element_type3A_47 = arith.extui %eq3A_46 : i1 to i32
      %cond3A_48 = arith.constant 0 : i32
      %cond3A_49 = arith.cmpi ne, %convert_element_type3A_47, %cond3A_48 : i32
      scf.if %cond3A_49 {
        %dma_start3A_101 = arith.constant 0 : i32
        %dma_start3A_102 = tpu.memref_slice %arg4[%add3A_28, %dma_start3A_101] : memref<64x1000000xf32, #tpu.memory_space<hbm>> -> memref<1x1000000xf32, #tpu.memory_space<hbm>>
        %dma_start3A_103 = tpu.memref_squeeze %dma_start3A_102 : memref<1x1000000xf32, #tpu.memory_space<hbm>> -> memref<1000000xf32, #tpu.memory_space<hbm>>
        tpu.enqueue_dma source(%dma_start3A_103 : memref<1000000xf32, #tpu.memory_space<hbm>>) target(%arg14 : memref<1000000xf32, #tpu.memory_space<vmem_shared>>) target_semaphore(%arg16 : memref<!tpu.dma_semaphore, #tpu.memory_space<semaphore_mem>>)
      } else {
      }
      %scan3A_50 = arith.constant 0 : i32
      %scan3A_51 = arith.constant 64 : i32
      %scan3A_52 = arith.addi %scan3A_50, %scan3A_51 : i32
      %scan3A_53 = arith.constant 1 : i32
      %scan3A_54 = scf.for %scan3A_101 = %scan3A_50 to %scan3A_52 step %scan3A_53 iter_args(%scan3A_102 = %scan3A_27) -> (vector<16xf32>)  : i32 {
        %mul3A_103 = arith.constant 16 : i32
        %mul3A_104 = arith.muli %scan3A_101, %mul3A_103 : i32
        %get3A = arith.index_cast %mul3A_104 : i32 to index
        %get3A_105 = tpu.vector_load %arg9[%get3A] {strides = array<i32>} : memref<1024xf32, #tpu.memory_space<vmem>>, vector<16xf32>,
        %mul3A_106 = arith.mulf %get3A_105, %get3A_105 : vector<16xf32>
        %add3A_107 = arith.addf %scan3A_102, %mul3A_106 : vector<16xf32>
        scf.yield %add3A_107 : vector<16xf32>
      }
      %scan3A_55 = arith.constant 64 : i32
      %eq3A_56 = arith.constant 0 : i32
      %eq3A_57 = arith.cmpi eq, %arg1, %eq3A_56 : i32
      %convert_element_type3A_58 = arith.extui %eq3A_57 : i1 to i32
      %cond3A_59 = arith.constant 0 : i32
      %cond3A_60 = arith.cmpi ne, %convert_element_type3A_58, %cond3A_59 : i32
      scf.if %cond3A_60 {
        %dma_wait3A_101 = arith.constant 0 : i32
        %dma_wait3A_102 = arith.constant 0 : i32
        %dma_wait3A_103 = tpu.memref_slice %arg3[%dma_wait3A_101, %dma_wait3A_102] : memref<64x1000000xf32, #tpu.memory_space<hbm>> -> memref<1x1000000xf32, #tpu.memory_space<hbm>>
        %dma_wait3A_104 = tpu.memref_squeeze %dma_wait3A_103 : memref<1x1000000xf32, #tpu.memory_space<hbm>> -> memref<1000000xf32, #tpu.memory_space<hbm>>
        tpu.wait_dma2 semaphore(%arg16 : memref<!tpu.dma_semaphore, #tpu.memory_space<semaphore_mem>>) src(%dma_wait3A_104 : memref<1000000xf32, #tpu.memory_space<hbm>>) dst(%arg14 : memref<1000000xf32, #tpu.memory_space<vmem_shared>>)
      } else {
      }
      %barrier3A_61 = arith.constant 0 : index
      tpu.barrier barrier_id(%barrier3A_61)
      %dma_start3A_62 = arith.constant 0 : i32
      %dma_start3A_63 = tpu.memref_slice %arg10[%dma_start3A_62] : memref<1024xf32, #tpu.memory_space<vmem>> -> memref<1024xf32, #tpu.memory_space<vmem>>
      %dma_start3A_64 = arith.constant 0 : i32
      %dma_start3A_65 = tpu.memref_slice %arg7[%dma_start3A_64] : memref<1024xi32, #tpu.memory_space<vmem>> -> memref<1024xi32, #tpu.memory_space<vmem>>
      %dma_start3A_66 = arith.constant 0 : i32
      %dma_start3A_67 = tpu.memref_slice %arg14[%dma_start3A_66] : memref<1000000xf32, #tpu.memory_space<vmem_shared>> -> memref<1000000xf32, #tpu.memory_space<vmem_shared>>
      tpu.enqueue_indirect_dma source(%dma_start3A_67 : memref<1000000xf32, #tpu.memory_space<vmem_shared>>) target(%dma_start3A_63 : memref<1024xf32, #tpu.memory_space<vmem>>) offsets(%dma_start3A_65 : memref<1024xi32, #tpu.memory_space<vmem>>) semaphore(%arg15 : memref<!tpu.dma_semaphore, #tpu.memory_space<semaphore_mem>>)
      %dma_start3A_68 = arith.constant 0 : i32
      %dma_start3A_69 = tpu.memref_slice %arg11[%dma_start3A_68] : memref<1024xf32, #tpu.memory_space<vmem>> -> memref<1024xf32, #tpu.memory_space<vmem>>
      %dma_start3A_70 = arith.constant 0 : i32
      %dma_start3A_71 = tpu.memref_slice %arg8[%dma_start3A_70] : memref<1024xi32, #tpu.memory_space<vmem>> -> memref<1024xi32, #tpu.memory_space<vmem>>
      %dma_start3A_72 = arith.constant 0 : i32
      %dma_start3A_73 = tpu.memref_slice %arg14[%dma_start3A_72] : memref<1000000xf32, #tpu.memory_space<vmem_shared>> -> memref<1000000xf32, #tpu.memory_space<vmem_shared>>
      tpu.enqueue_indirect_dma source(%dma_start3A_73 : memref<1000000xf32, #tpu.memory_space<vmem_shared>>) target(%dma_start3A_69 : memref<1024xf32, #tpu.memory_space<vmem>>) offsets(%dma_start3A_71 : memref<1024xi32, #tpu.memory_space<vmem>>) semaphore(%arg15 : memref<!tpu.dma_semaphore, #tpu.memory_space<semaphore_mem>>)
      %dma_wait3A_74 = arith.constant 0 : i32
      %dma_wait3A_75 = tpu.memref_slice %arg10[%dma_wait3A_74] : memref<1024xf32, #tpu.memory_space<vmem>> -> memref<1024xf32, #tpu.memory_space<vmem>>
      %dma_wait3A_76 = arith.constant 0 : i32
      %dma_wait3A_77 = tpu.memref_slice %arg7[%dma_wait3A_76] : memref<1024xi32, #tpu.memory_space<vmem>> -> memref<1024xi32, #tpu.memory_space<vmem>>
      %dma_wait3A_78 = arith.constant 0 : i32
      %dma_wait3A_79 = tpu.memref_slice %arg14[%dma_wait3A_78] : memref<1000000xf32, #tpu.memory_space<vmem_shared>> -> memref<1000000xf32, #tpu.memory_space<vmem_shared>>
      tpu.wait_indirect_dma semaphore(%arg15 : memref<!tpu.dma_semaphore, #tpu.memory_space<semaphore_mem>>) src(%dma_wait3A_79 : memref<1000000xf32, #tpu.memory_space<vmem_shared>>) dst(%dma_wait3A_75 : memref<1024xf32, #tpu.memory_space<vmem>>)
      %dma_wait3A_80 = arith.constant 0 : i32
      %dma_wait3A_81 = tpu.memref_slice %arg11[%dma_wait3A_80] : memref<1024xf32, #tpu.memory_space<vmem>> -> memref<1024xf32, #tpu.memory_space<vmem>>
      %dma_wait3A_82 = arith.constant 0 : i32
      %dma_wait3A_83 = tpu.memref_slice %arg8[%dma_wait3A_82] : memref<1024xi32, #tpu.memory_space<vmem>> -> memref<1024xi32, #tpu.memory_space<vmem>>
      %dma_wait3A_84 = arith.constant 0 : i32
      %dma_wait3A_85 = tpu.memref_slice %arg14[%dma_wait3A_84] : memref<1000000xf32, #tpu.memory_space<vmem_shared>> -> memref<1000000xf32, #tpu.memory_space<vmem_shared>>
      tpu.wait_indirect_dma semaphore(%arg15 : memref<!tpu.dma_semaphore, #tpu.memory_space<semaphore_mem>>) src(%dma_wait3A_85 : memref<1000000xf32, #tpu.memory_space<vmem_shared>>) dst(%dma_wait3A_81 : memref<1024xf32, #tpu.memory_space<vmem>>)
      %barrier3A_86 = arith.constant 0 : index
      tpu.barrier barrier_id(%barrier3A_86)
      %eq3A_87 = arith.constant 0 : i32
      %eq3A_88 = arith.cmpi eq, %arg1, %eq3A_87 : i32
      %add3A_89 = arith.constant 1 : i32
      %add3A_90 = arith.addi %scan3A_26, %add3A_89 : i32
      %lt3A = arith.constant 32 : i32
      %lt3A_91 = arith.cmpi slt, %add3A_90, %lt3A : i32
      %and3A = arith.andi %eq3A_88, %lt3A_91 : i1
      %convert_element_type3A_92 = arith.extui %and3A : i1 to i32
      %cond3A_93 = arith.constant 0 : i32
      %cond3A_94 = arith.cmpi ne, %convert_element_type3A_92, %cond3A_93 : i32
      scf.if %cond3A_94 {
        %add3A_101 = arith.constant 1 : i32
        %add3A_102 = arith.addi %add3A_28, %add3A_101 : i32
        %dma_start3A_103 = arith.constant 0 : i32
        %dma_start3A_104 = tpu.memref_slice %arg3[%add3A_102, %dma_start3A_103] : memref<64x1000000xf32, #tpu.memory_space<hbm>> -> memref<1x1000000xf32, #tpu.memory_space<hbm>>
        %dma_start3A_105 = tpu.memref_squeeze %dma_start3A_104 : memref<1x1000000xf32, #tpu.memory_space<hbm>> -> memref<1000000xf32, #tpu.memory_space<hbm>>
        tpu.enqueue_dma source(%dma_start3A_105 : memref<1000000xf32, #tpu.memory_space<hbm>>) target(%arg14 : memref<1000000xf32, #tpu.memory_space<vmem_shared>>) target_semaphore(%arg16 : memref<!tpu.dma_semaphore, #tpu.memory_space<semaphore_mem>>)
      } else {
      }
      %scan3A_95 = arith.constant 0 : i32
      %scan3A_96 = arith.constant 64 : i32
      %scan3A_97 = arith.addi %scan3A_95, %scan3A_96 : i32
      %scan3A_98 = arith.constant 1 : i32
      %scan3A_99 = scf.for %scan3A_101 = %scan3A_95 to %scan3A_97 step %scan3A_98 iter_args(%scan3A_102 = %scan3A_54) -> (vector<16xf32>)  : i32 {
        %mul3A_103 = arith.constant 16 : i32
        %mul3A_104 = arith.muli %scan3A_101, %mul3A_103 : i32
        %get3A = arith.index_cast %mul3A_104 : i32 to index
        %get3A_105 = tpu.vector_load %arg9[%get3A] {strides = array<i32>} : memref<1024xf32, #tpu.memory_space<vmem>>, vector<16xf32>,
        %get3A_106 = arith.index_cast %mul3A_104 : i32 to index
        %get3A_107 = tpu.vector_load %arg10[%get3A_106] {strides = array<i32>} : memref<1024xf32, #tpu.memory_space<vmem>>, vector<16xf32>,
        %get3A_108 = arith.index_cast %mul3A_104 : i32 to index
        %get3A_109 = tpu.vector_load %arg11[%get3A_108] {strides = array<i32>} : memref<1024xf32, #tpu.memory_space<vmem>>, vector<16xf32>,
        %get3A_110 = arith.index_cast %mul3A_104 : i32 to index
        %get3A_111 = tpu.vector_load %arg12[%get3A_110] {strides = array<i32>} : memref<1024xf32, #tpu.memory_space<vmem>>, vector<16xf32>,
        %sub3A = arith.subf %get3A_107, %get3A_109 : vector<16xf32>
        %mul3A_112 = arith.mulf %get3A_105, %sub3A : vector<16xf32>
        %add3A_113 = arith.addf %get3A_111, %mul3A_112 : vector<16xf32>
        %swap3A_114 = arith.index_cast %mul3A_104 : i32 to index
        %swap3A_115 = tpu.vector_load %arg12[%swap3A_114] {strides = array<i32>} : memref<1024xf32, #tpu.memory_space<vmem>>, vector<16xf32>,
        tpu.vector_store %arg12[%swap3A_114], %add3A_113 {strides = array<i32>} : memref<1024xf32, #tpu.memory_space<vmem>>, vector<16xf32>,
        %mul3A_116 = arith.mulf %get3A_107, %get3A_107 : vector<16xf32>
        %add3A_117 = arith.addf %scan3A_102, %mul3A_116 : vector<16xf32>
        %mul3A_118 = arith.mulf %get3A_109, %get3A_109 : vector<16xf32>
        %add3A_119 = arith.addf %add3A_117, %mul3A_118 : vector<16xf32>
        scf.yield %add3A_119 : vector<16xf32>
      }
      %scan3A_100 = arith.constant 64 : i32
      scf.yield %scan3A_99 : vector<16xf32>
    }
    %scan3A_24 = arith.constant 32 : i32
    %swap3A = arith.constant 0 : index
    %swap3A_25 = tpu.vector_load %arg13[%swap3A] {strides = array<i32>} : memref<16xf32, #tpu.memory_space<vmem>>, vector<16xf32>,
    tpu.vector_store %arg13[%swap3A], %scan3A_23 {strides = array<i32>} : memref<16xf32, #tpu.memory_space<vmem>>, vector<16xf32>,
    "tpu.region"() ({
      %run_scoped3A = tpu.sem_alloc : memref<!tpu.dma_semaphore, #tpu.memory_space<semaphore_mem>>
      %dma_start3A = arith.constant 0 : i32
      %dma_start3A_26 = tpu.memref_slice %arg5[%arg0, %arg1, %dma_start3A] : memref<2x16x1040xf32, #tpu.memory_space<hbm>> -> memref<1x1x1024xf32, #tpu.memory_space<hbm>>
      %dma_start3A_27 = tpu.memref_squeeze %dma_start3A_26 : memref<1x1x1024xf32, #tpu.memory_space<hbm>> -> memref<1024xf32, #tpu.memory_space<hbm>>
      %dma_start3A_28 = arith.constant 0 : i32
      %dma_start3A_29 = tpu.memref_slice %arg5[%arg0, %arg1, %dma_start3A_28] : memref<2x16x1040xf32, #tpu.memory_space<hbm>> -> memref<1x1x1024xf32, #tpu.memory_space<hbm>>
      %dma_start3A_30 = tpu.memref_squeeze %dma_start3A_29 : memref<1x1x1024xf32, #tpu.memory_space<hbm>> -> memref<1024xf32, #tpu.memory_space<hbm>>
      tpu.enqueue_dma source(%arg12 : memref<1024xf32, #tpu.memory_space<vmem>>) target(%dma_start3A_30 : memref<1024xf32, #tpu.memory_space<hbm>>) target_semaphore(%run_scoped3A : memref<!tpu.dma_semaphore, #tpu.memory_space<semaphore_mem>>)
      %dma_wait3A = arith.constant 0 : i32
      %dma_wait3A_31 = tpu.memref_slice %arg5[%arg0, %arg1, %dma_wait3A] : memref<2x16x1040xf32, #tpu.memory_space<hbm>> -> memref<1x1x1024xf32, #tpu.memory_space<hbm>>
      %dma_wait3A_32 = tpu.memref_squeeze %dma_wait3A_31 : memref<1x1x1024xf32, #tpu.memory_space<hbm>> -> memref<1024xf32, #tpu.memory_space<hbm>>
      %dma_wait3A_33 = arith.constant 0 : i32
      %dma_wait3A_34 = tpu.memref_slice %arg5[%arg0, %arg1, %dma_wait3A_33] : memref<2x16x1040xf32, #tpu.memory_space<hbm>> -> memref<1x1x1024xf32, #tpu.memory_space<hbm>>
      %dma_wait3A_35 = tpu.memref_squeeze %dma_wait3A_34 : memref<1x1x1024xf32, #tpu.memory_space<hbm>> -> memref<1024xf32, #tpu.memory_space<hbm>>
      tpu.wait_dma2 semaphore(%run_scoped3A : memref<!tpu.dma_semaphore, #tpu.memory_space<semaphore_mem>>) src(%arg12 : memref<1024xf32, #tpu.memory_space<vmem>>) dst(%dma_wait3A_35 : memref<1024xf32, #tpu.memory_space<hbm>>)
      tpu.yield
    }) : () -> ()
    "tpu.region"() ({
      %run_scoped3A = tpu.sem_alloc : memref<!tpu.dma_semaphore, #tpu.memory_space<semaphore_mem>>
      %dma_start3A = arith.constant 1024 : i32
      %dma_start3A_26 = tpu.memref_slice %arg5[%arg0, %arg1, %dma_start3A] : memref<2x16x1040xf32, #tpu.memory_space<hbm>> -> memref<1x1x16xf32, #tpu.memory_space<hbm>>
      %dma_start3A_27 = tpu.memref_squeeze %dma_start3A_26 : memref<1x1x16xf32, #tpu.memory_space<hbm>> -> memref<16xf32, #tpu.memory_space<hbm>>
      %dma_start3A_28 = arith.constant 1024 : i32
      %dma_start3A_29 = tpu.memref_slice %arg5[%arg0, %arg1, %dma_start3A_28] : memref<2x16x1040xf32, #tpu.memory_space<hbm>> -> memref<1x1x16xf32, #tpu.memory_space<hbm>>
      %dma_start3A_30 = tpu.memref_squeeze %dma_start3A_29 : memref<1x1x16xf32, #tpu.memory_space<hbm>> -> memref<16xf32, #tpu.memory_space<hbm>>
      tpu.enqueue_dma source(%arg13 : memref<16xf32, #tpu.memory_space<vmem>>) target(%dma_start3A_30 : memref<16xf32, #tpu.memory_space<hbm>>) target_semaphore(%run_scoped3A : memref<!tpu.dma_semaphore, #tpu.memory_space<semaphore_mem>>)
      %dma_wait3A = arith.constant 1024 : i32
      %dma_wait3A_31 = tpu.memref_slice %arg5[%arg0, %arg1, %dma_wait3A] : memref<2x16x1040xf32, #tpu.memory_space<hbm>> -> memref<1x1x16xf32, #tpu.memory_space<hbm>>
      %dma_wait3A_32 = tpu.memref_squeeze %dma_wait3A_31 : memref<1x1x16xf32, #tpu.memory_space<hbm>> -> memref<16xf32, #tpu.memory_space<hbm>>
      %dma_wait3A_33 = arith.constant 1024 : i32
      %dma_wait3A_34 = tpu.memref_slice %arg5[%arg0, %arg1, %dma_wait3A_33] : memref<2x16x1040xf32, #tpu.memory_space<hbm>> -> memref<1x1x16xf32, #tpu.memory_space<hbm>>
      %dma_wait3A_35 = tpu.memref_squeeze %dma_wait3A_34 : memref<1x1x16xf32, #tpu.memory_space<hbm>> -> memref<16xf32, #tpu.memory_space<hbm>>
      tpu.wait_dma2 semaphore(%run_scoped3A : memref<!tpu.dma_semaphore, #tpu.memory_space<semaphore_mem>>) src(%arg13 : memref<16xf32, #tpu.memory_space<vmem>>) dst(%dma_wait3A_35 : memref<16xf32, #tpu.memory_space<hbm>>)
      tpu.yield
    }) : () -> ()
    return
  }
}

module attributes {stable_mosaic.version = 14 : i64} {
  func.func @_tc_body(%arg0: memref<2x128x128xf32, #tpu.memory_space<vmem>>, %arg1: memref<4x128xf32, #tpu.memory_space<vmem>>, %arg2: memref<1x1xf32, #tpu.memory_space<smem>>) attributes {dimension_semantics = [], scalar_prefetch = 0 : i64, scratch_operands = 0 : i64, tpu.core_type = #tpu.core_type<tc>} {
    %get3A = arith.constant 0 : index
    %get3A_0 = arith.constant 0 : index
    %get3A_1 = arith.constant 0 : index
    %get3A_2 = vector.load %arg0[%get3A, %get3A_0, %get3A_1] : memref<2x128x128xf32, #tpu.memory_space<vmem>>, vector<1x128x128xf32>
    %get3A_3 = vector.shape_cast %get3A_2 : vector<1x128x128xf32> to vector<128x128xf32>
    %get3A_4 = arith.constant 1 : index
    %get3A_5 = arith.constant 0 : index
    %get3A_6 = arith.constant 0 : index
    %get3A_7 = vector.load %arg0[%get3A_4, %get3A_5, %get3A_6] : memref<2x128x128xf32, #tpu.memory_space<vmem>>, vector<1x128x128xf32>
    %get3A_8 = vector.shape_cast %get3A_7 : vector<1x128x128xf32> to vector<128x128xf32>
    %add3A = arith.addf %get3A_3, %get3A_8 : vector<128x128xf32>
    %neg3A = arith.constant 0.000000e+00 : f32
    %neg3A_9 = vector.broadcast %neg3A : f32 to vector<128x128xf32>
    %neg3A_10 = arith.subf %neg3A_9, %add3A : vector<128x128xf32>
    %exp3A = math.exp %neg3A_10 : vector<128x128xf32>
    %add3A_11 = arith.constant 1.000000e+00 : f32
    %add3A_12 = vector.broadcast %add3A_11 : f32 to vector<128x128xf32>
    %add3A_13 = arith.addf %add3A_12, %exp3A : vector<128x128xf32>
    %div3A = arith.constant 1.000000e+00 : f32
    %div3A_14 = vector.broadcast %div3A : f32 to vector<128x128xf32>
    %div3A_15 = arith.divf %div3A_14, %add3A_13 : vector<128x128xf32>
    %add3A_16 = arith.constant 1.000000e-10 : f32
    %add3A_17 = vector.broadcast %add3A_16 : f32 to vector<128x128xf32>
    %add3A_18 = arith.addf %div3A_15, %add3A_17 : vector<128x128xf32>
    %log3A = math.log %add3A_18 : vector<128x128xf32>
    %reduce_sum3A = vector.shape_cast %log3A : vector<128x128xf32> to vector<1x128x128xf32>
    %reduce_sum3A_19 = arith.constant dense<0.000000e+00> : vector<1xf32>
    %reduce_sum3A_20 = vector.multi_reduction <add>, %reduce_sum3A, %reduce_sum3A_19 [1, 2] : vector<1x128x128xf32> to vector<1xf32>
    %reduce_sum3A_21 = vector.shape_cast %reduce_sum3A_20 : vector<1xf32> to vector<1x1x1xf32>
    %reduce_sum3A_22 = vector.extract %reduce_sum3A_21[0, 0, 0] : f32 from vector<1x1x1xf32>
    %neg3A_23 = arith.constant 0.000000e+00 : f32
    %neg3A_24 = arith.subf %neg3A_23, %reduce_sum3A_22 : f32
    %div3A_25 = arith.constant 1.638400e+04 : f32
    %div3A_26 = arith.divf %neg3A_24, %div3A_25 : f32
    %get3A_27 = arith.constant 0 : index
    %get3A_28 = arith.constant 0 : index
    %get3A_29 = vector.load %arg1[%get3A_27, %get3A_28] : memref<4x128xf32, #tpu.memory_space<vmem>>, vector<4x128xf32>
    %reduce_sum3A_30 = vector.shape_cast %get3A_29 : vector<4x128xf32> to vector<1x4x128xf32>
    %reduce_sum3A_31 = arith.constant dense<0.000000e+00> : vector<1xf32>
    %reduce_sum3A_32 = vector.multi_reduction <add>, %reduce_sum3A_30, %reduce_sum3A_31 [1, 2] : vector<1x4x128xf32> to vector<1xf32>
    %reduce_sum3A_33 = vector.shape_cast %reduce_sum3A_32 : vector<1xf32> to vector<1x1x1xf32>
    %reduce_sum3A_34 = vector.extract %reduce_sum3A_33[0, 0, 0] : f32 from vector<1x1x1xf32>
    %mul3A = arith.constant 9.99999974E-5 : f32
    %mul3A_35 = arith.mulf %mul3A, %reduce_sum3A_34 : f32
    %div3A_36 = arith.constant 1.638400e+04 : f32
    %div3A_37 = arith.divf %mul3A_35, %div3A_36 : f32
    %add3A_38 = arith.addf %div3A_26, %div3A_37 : f32
    %swap3A = arith.constant 0 : index
    %swap3A_39 = arith.constant 0 : index
    %swap3A_40 = memref.load %arg2[%swap3A, %swap3A_39] : memref<1x1xf32, #tpu.memory_space<smem>>
    memref.store %add3A_38, %arg2[%swap3A, %swap3A_39] : memref<1x1xf32, #tpu.memory_space<smem>>
    return
  }
}

</mosaic_0001>

<sc_bundles>
// kernel: kernel.4.cloned.1.call-start
scs
__scs_entry_jumppad:
0x0: {  	(pc) =	sbr.rel $0x88, $3  }
0x1: {  	(tag) =	ssettag $0x0;
	lr =	simm.s32 $0x1  }
0x2: {  	[smem:$0x3F9C] =	sst lr;
	_ =	strace $0xD0000000  }
0x3: {  	_ = 	snop  }
0x4: {  	_ = 	snop  }
0x5: {  	_ = 	snop  }
0x6: {  	_ = 	snop  }
0x7: {  	_ = 	snop  }
__scs_overlays_trampoline_lowered:
0x8: {  	[smem:$0x3FAB] =	sst s0  }
0x9: {  	[smem:$0x3FAC] =	sst s1  }
0xa: {  	[smem:$0x3FAD] =	sst s2  }
0xb: {  	[smem:$0x3FAE] =	sst s3  }
0xc: {  	[smem:$0x3FAF] =	sst s4  }
0xd: {  	[smem:$0x3FB0] =	sst s5  }
0xe: {  	[smem:$0x3FB1] =	sst s6  }
0xf: {  	[smem:$0x3FB2] =	sst s7  }
0x10: {  	[smem:$0x3FB3] =	sst s8  }
0x11: {  	[smem:$0x3FB4] =	sst s9;
	s0 =	simm.s32 @!p0 $0x0  }
0x12: {  	s1 =	sld [smem:$0x3F9A];
	s0 =	simm.s32 @p0 $0x1  }
0x13: {  	[smem:$0x3FB5] =	sst s0;
	s0 =	simm.s32 @!p1 $0x0  }
0x14: {  	s2 =	sld [smem:$0x3F99];
	s0 =	simm.s32 @p1 $0x1  }
0x15: {  	[smem:$0x3FB6] =	sst s0;
	s0 =	simm.s32 @!p2 $0x0  }
0x16: {  	s3 =	sld [smem:$0x3FDB];
	s0 =	simm.s32 @p2 $0x1  }
0x17: {  	s4 =	simm.s32 $0x1BF5;
	[smem:$0x3FB8] =	sst s0  }
0x18: {  	s0 =	sld [smem:$0x3F9B];
	_ =	swait.ge [sflag:s4], $0x0  }
0x19: {  	s7 =	sld [smem:$0x3F9C]  }
0x1a: {  	s8 =	sadd.s32 $0xFFFFE003, lr  }
0x1b: {  	s9 =	sadd.s32 $0xFFFFFEF7, lr;
	s5 =	simm.s32 $0xFFFFFFFF;
	p2 =	slt.u32 s8, $0xFFFFF086  }
0x1c: {  	p1 =	slt.u32 s9, $0xF7A;
	s5 =	simm.s32 @!p2 $0x0  }
0x1d: {  	s5 =	simm.s32 @p1 $0x1;
	p0 =	seq.s32 s7, s2  }
0x1e: {  	s7 =	smul.u32 @!p0 $0xF7A, s2;
	p2 =	seq.s32 @!p0 s5, $0x0  }
0x1f: {  	s9 =	smul.u32 $0xF7A, s1;
	s8 =	simm.s32 @!p0 $0x1BF5;
	p2 =	por !p2, p0  }
0x20: {  	[sflag:s8] =	ssyncset.s32 @!p0 $0xFFFFF086;
	s6 =	sadd.s32 @!p0 s3, s7;
	s7 =	simm.s32 @!p0 $0x108  }
0x21: {  	s3 =	sadd.s32 s3, s9;
	s6 =	sadd.s32 @!p0 $0x88, s6;
	s7 =	simm.s32 @p2 $0x1082  }
0x22: {  	[simem:s7], [sflag:s8] =	dma.local @!p0 [hbm:s6], $0xF7A  }
0x23: {  	s9 =	sor.u32 $0xD0000000, s2;
	s6 =	simm.s32 $0x108;
	_ =	swait.ge @!p0 [sflag:s8], $0x0  }
0x24: {  	s3 =	sadd.s32 $0x88, s3;
	s6 =	simm.s32 @!p1 $0x1082;
	[sflag:s4] =	ssyncset.s32 $0xFFFFF086  }
0x25: {  	[simem:s6], [sflag:s4] =	dma.local [hbm:s3], $0xF7A  }
0x26: {  	[smem:$0x3F9C] =	sst s1;
	(tag) =	ssettag s2;
	_ =	strace s9  }
0x27: {  	s1 =	sld [smem:$0x3FAC]  }
0x28: {  	s2 =	sld [smem:$0x3FAD]  }
0x29: {  	s4 =	sld [smem:$0x3FAF]  }
0x2a: {  	p0 =	seq.s32 s5, $0x0;
	s5 =	sld [smem:$0x3FB0]  }
0x2b: {  	s6 =	sld [smem:$0x3FB1]  }
0x2c: {  	s7 =	sld [smem:$0x3FB2]  }
0x2d: {  	s3 =	simm.s32 $0x108;
	s8 =	sld [smem:$0x3FB3]  }
0x2e: {  	s3 =	simm.s32 @!p0 $0x1082;
	s9 =	sld [smem:$0x3FB4]  }
0x2f: {  	lr =	sadd.s32 s0, s3;
	s0 =	sld [smem:$0x3FAB]  }
0x30: {  	s3 =	sld [smem:$0x3FAE]  }
0x31: {  	[smem:$0x3FB7] =	sst s10  }
0x32: {  	s10 =	sld [smem:$0x3FB5];
	_ =	sdelay $0x3  }
0x33: {  	p0 =	seq.s32 s10, $0x1;
	s10 =	sld [smem:$0x3FB7];
	_ =	sdelay $0x3  }
0x34: {  	[smem:$0x3FB7] =	sst s10  }
0x35: {  	s10 =	sld [smem:$0x3FB6];
	_ =	sdelay $0x3  }
0x36: {  	p1 =	seq.s32 s10, $0x1;
	s10 =	sld [smem:$0x3FB7];
	_ =	sdelay $0x3  }
0x37: {  	[smem:$0x3FB7] =	sst s10  }
0x38: {  	s10 =	sld [smem:$0x3FB8]  }
0x39: {  	_ = 	snop;
	(pc) =	sbr.ind lr, $3  }
0x3a: {  	_ = 	snop  }
0x3b: {  	_ = 	snop  }
0x3c: {  	p2 =	seq.s32 s10, $0x1;
	s10 =	sld [smem:$0x3FB7]  }
0x3d: {  	_ =	shalt  }
0x3e: {  	_ =	shalt  }
0x3f: {  	_ =	shalt  }
0x40: {  	_ =	shalt  }
0x41: {  	_ =	shalt  }
0x42: {  	_ =	shalt  }
0x43: {  	_ =	shalt  }
0x44: {  	_ =	shalt  }
0x45: {  	_ =	shalt  }
0x46: {  	_ =	shalt  }
0x47: {  	_ =	shalt  }
0x48: {  	_ =	shalt  }
0x49: {  	_ =	shalt  }
0x4a: {  	_ =	shalt  }
0x4b: {  	_ =	shalt  }
0x4c: {  	_ =	shalt  }
0x4d: {  	_ =	shalt  }
0x4e: {  	_ =	shalt  }
0x4f: {  	_ =	shalt  }
0x50: {  	_ =	shalt  }
0x51: {  	_ =	shalt  }
0x52: {  	_ =	shalt  }
0x53: {  	_ =	shalt  }
0x54: {  	_ =	shalt  }
0x55: {  	_ =	shalt  }
0x56: {  	_ =	shalt  }
0x57: {  	_ =	shalt  }
0x58: {  	_ =	shalt  }
0x59: {  	_ =	shalt  }
0x5a: {  	_ =	shalt  }
0x5b: {  	_ =	shalt  }
0x5c: {  	_ =	shalt  }
0x5d: {  	_ =	shalt  }
0x5e: {  	_ =	shalt  }
0x5f: {  	_ =	shalt  }
0x60: {  	_ =	shalt  }
0x61: {  	_ =	shalt  }
0x62: {  	_ =	shalt  }
0x63: {  	_ =	shalt  }
0x64: {  	_ =	shalt  }
0x65: {  	_ =	shalt  }
0x66: {  	_ =	shalt  }
0x67: {  	_ =	shalt  }
0x68: {  	_ =	shalt  }
0x69: {  	_ =	shalt  }
0x6a: {  	_ =	shalt  }
0x6b: {  	_ =	shalt  }
0x6c: {  	_ =	shalt  }
0x6d: {  	_ =	shalt  }
0x6e: {  	_ =	shalt  }
0x6f: {  	_ =	shalt  }
0x70: {  	_ =	shalt  }
0x71: {  	_ =	shalt  }
0x72: {  	_ =	shalt  }
0x73: {  	_ =	shalt  }
0x74: {  	_ =	shalt  }
0x75: {  	_ =	shalt  }
0x76: {  	_ =	shalt  }
0x77: {  	_ =	shalt  }
0x78: {  	_ =	shalt  }
0x79: {  	_ =	shalt  }
0x7a: {  	_ =	shalt  }
0x7b: {  	_ =	shalt  }
0x7c: {  	_ =	shalt  }
0x7d: {  	_ =	shalt  }
0x7e: {  	_ =	shalt  }
0x7f: {  	_ =	shalt  }
0x80: {  	_ =	shalt  }
0x81: {  	_ =	shalt  }
0x82: {  	_ =	shalt  }
0x83: {  	_ =	shalt  }
0x84: {  	_ =	shalt  }
0x85: {  	_ =	shalt  }
0x86: {  	_ =	shalt  }
0x87: {  	_ =	shalt  }
.Lfunc_end0:
.L_simem_size_0:
called_computation_lowered:
.L_overlay_start_0:
0x88: {  	s2 =	sld [smem:$0x3FD9]  }
0x89: {  	s3 =	sld [smem:$0x3FFE];
	_ =	sdelay $0x1  }
0x8a: {  	s1 =	srdreg.scid  }
0x8b: {  	s0 =	sand.u32 $0x1, s1  }
0x8c: {  	s17 =	sshll.u32 s0, $0xA;
	s2 =	sadd.s32 s3, s2  }
0x8d: {  	s2 =	sadd.s32 s2, s17  }
0x8e: {  	[smem:$0x3FC3] =	sst s2  }
0x8f: {  	_ = 	snop  }
0x90: {  	s2 =	sld [smem:$0x3FC6]  }
0x91: {  	s18 =	sld [smem:$0x3FC5];
	(tm) =	ssettm $0x1  }
0x92: {  	s4 =	sld [smem:$0x3FFB];
	_ =	sdelay $0x3  }
0x93: {  	_ =	strace s4  }
0x94: {  	s4 =	sld [smem:$0x3FFC];
	_ =	sdelay $0x3  }
0x95: {  	_ =	strace s4  }
0x96: {  	s4 =	sld [smem:$0x3FFD];
	_ =	sdelay $0x3  }
0x97: {  	_ =	strace s4  }
0x98: {  	_ =	strace $0x8FFFFFFF  }
0x99: {  	s19 =	sld [smem:$0x3FDB];
	_ =	sdelay $0x1  }
0x9a: {  	s5 =	simm.s32 $_scs_section_size  }
0x9b: {  	s6 =	simm.s32 $_size__tile_overlayer_lowered;
	s7 =	simm.s32 $_tile_overlayer_lowered  }
0x9c: {  	s22 =	simm.s32 $0x1BFF;
	s21 =	sshll.u32 s7, $0x1;
	s4 =	sadd.s32 s5, s19  }
0x9d: {  	s8 =	simm.s32 $0x0;
	s20 =	sshll.u32 s6, $0x1;
	s6 =	sadd.s32 s21, s4  }
0x9e: {  	[timem:s8], [sflag:s22] =	dma.local [hbm:s6], s20  }
0x9f: {  	_ =	swait.ge [sflag:s22], s20  }
0xa0: {  	s5 =	ssub.s32 $0x0, s20;
	[sflag:s22] =	ssyncset.done $0x0  }
0xa1: {  	[sflag:s22] =	ssyncadd.s32 s5;
	_ =	sdelay $0x1  }
0xa2: {  	s23 =	simm.s32 $0x1B8B  }
0xa3: {  	_ =	swait.ge [sflag:s23], $0x1  }
0xa4: {  	[sflag:s23] =	ssyncset.done $0x0  }
0xa5: {  	s25 =	simm.s32 $0x1B8E;
	s24 =	sld [smem:$0x3FFE];
	[sflag:s23] =	ssyncadd.s32 $0xFFFFFFFF  }
0xa6: {  	s26 =	simm.s32 $execute0_lowered;
	[smem:$0x3FD2] =	sst s25  }
0xa7: {  	s6 =	sshll.u32 s26, $0x1;
	_ =	strace $0x80000046;
	[dreg:$0x1] =	wrdreg $0xFFFFFFFF  }
0xa8: {  	s28 =	simm.s32 $_size_execute0_lowered;
	s4 =	sadd.s32 s4, s6;
	[dreg:$0x0] =	wrdreg $0x0  }
0xa9: {  	s6 =	sshll.u32 s28, $0x1;
	[dreg:$0x2] =	wrdreg s4  }
0xaa: {  	[dreg:$0x3] =	wrdreg s6  }
0xab: {  	[dreg:$0x4] =	wrdreg $0xC0  }
0xac: {  	_ =	task [dreg:s8], $0x5FFFF  }
0xad: {  	[dreg:$0x1] =	wrdreg $0xFFFFFFFF  }
0xae: {  	[dreg:$0x0] =	wrdreg $0x60  }
0xaf: {  	[dreg:$0x2] =	wrdreg s24  }
0xb0: {  	[dreg:$0x3] =	wrdreg s2  }
0xb1: {  	[dreg:$0x4] =	wrdreg s18  }
0xb2: {  	[dreg:$0x5] =	wrdreg $0x1C800  }
0xb3: {  	[dreg:$0x6] =	wrdreg $0x9  }
0xb4: {  	_ =	task.clear_ibuf [dreg:s8], $0x7FFFF;
	_ =	strace $0x90000046  }
0xb5: {  	s29 =	simm.s32 $0x9;
	_ =	strace $0x80000048  }
0xb6: {  	_ =	swait.ge [sflag:s29], $0x1  }
0xb7: {  	[sflag:s29] =	ssyncadd.s32 $0xFFFFFFFF  }
0xb8: {  	_ =	strace $0x90000048  }
0xb9: {  	_ =	sfence  }
0xba: {  	s30 =	sld [smem:$0x0];
	_ =	sdelay $0x2  }
0xbb: {  	s31 =	sshll.u32 s1, $0xD;
	s1 =	sshrl.u32 s1, $0x2  }
0xbc: {  	s3 =	sand.u32 $0x4000, s31;
	s1 =	sadd.s32 s1, s30  }
0xbd: {  	s0 =	sor.u32 s3, s0;
	s1 =	sshll.u32 s1, $0x11  }
0xbe: {  	s0 =	sor.u32 s1, s0  }
0xbf: {  	s0 =	sadd.s32 $0x8F2B, s0  }
0xc0: {  	[sflag:s0] =	ssyncadd.remote.s32 $0x1  }
0xc1: {  	_ =	sfence.sel $0xFFFF  }
0xc2: {  	[dreg:$0x0] =	wrdreg $0xFFFFFFFF;
	(pc) =	sbr.abs _section_cstart, $3  }
0xc3: {  	[dreg:$0x1] =	wrdreg $0xFFFFFFFF  }
0xc4: {  	_ =	task.clear_ibuf [dreg:s8], $0x2FFFF;
	_ =	strace $0x9FFFFFFF  }
0xc5: {  	(tm) =	ssettm $0x7FFFFFFF  }
tec
execute0_lowered:
.L_overlay_start_1:
0x0: {  	(tag) =	ssettag $0x1  }
0x1: {  	s0 =	rddreg [dreg:$0x0]  }
0x2: {  	s1 =	rddreg [dreg:$0x1]  }
0x3: {  	s2 =	rddreg [dreg:$0x2]  }
0x4: {  	s3 =	rddreg [dreg:$0x3]  }
0x5: {  	s4 =	simm.s32 $0x0;
	s5 =	srdreg.scid;
	s15 =	stileid.u32  }
0x6: {  	s14 =	simm.s32 $0x400;
	s17 =	simm.s32 $0x1000;
	s18 =	simm.s32 $0x1400  }
0x7: {  	s19 =	simm.s32 $0x1;
	s23 =	simm.s32 $0x0;
	[smem:$0x7FF] =	sst s4  }
0x8: {  	s7 =	sand.u32 $0x1, s5;
	s8 =	sshrl.u32 s15, $0x3;
	s9 =	sshll.u32 s15, $0x7  }
0x9: {  	p0 =	sne.s32 s15, $0x0;
	s15 =	simm.s32 $0x800;
	s6 =	smul.u32 $0x4800, s7  }
0xa: {  	_ =	strace $0x80000047;
	s5 =	ssub.s32 $0x2, s7;
	s8 =	smul.u32 $0x2400, s8  }
0xb: {  	s11 =	sadd.s32 s9, s0;
	s0 =	sadd.s32 $0x1C00, s0;
	s9 =	sand.u32 $0x380, s9  }
0xc: {  	s29 =	smul.u32 $0x3D0A00, s7;
	s16 =	sshrl.u32 @!p0 s3, $0x3;
	s10 =	sshrl.u32 s5, $0x1  }
0xd: {  	s12 =	ssub.s32 s5, s10;
	s5 =	sshll.u32 s7, $0x5;
	s8 =	sadd.s32 s6, s8  }
0xe: {  	s6 =	sadd.s32 $0x400, s11;
	s7 =	sadd.s32 $0xC00, s11;
	s13 =	sor.u32 s9, s8  }
0xf: {  	s8 =	sadd.s32 $0x1400, s11;
	s9 =	sadd.s32 s1, s29;
	s30 =	sadd.s32 $0x2000, s13  }
0x10: {  	s12 =	smax.u32 s12, $0x1;
	s31 =	sshrl.u32 s13, $0x3;
	s11 =	sshrl.u32 s30, $0x3  }
0x11: {  	v0 =	vimm.f32 $0.0e+00;
	s13 =	simm.s32 $0x3;
	s10 =	sadd.s32 s0, s31;
	s11 =	sadd.s32 s0, s11  }
.LBB2_1:
0x12: {  	[tilespmem:s4], [sflag:$0x3] =	stream.linear.gather [hbm4b:s6+s4], $0x400, $0x38;
	[tilespmem:$0x110A8] =	vst v63  }
0x13: {  	_ =	swait.ge [sflag:s13], $0x400  }
0x14: {  	[sflag:s13] =	ssyncset.done $0x0  }
0x15: {  	[sflag:s13] =	ssyncadd.s32 $0xFFFFFC00  }
0x16: {  	[tilespmem:s14], [sflag:$0x3] =	stream.linear.gather [hbm4b:s7+s4], $0x400, $0x38;
	[tilespmem:$0x110A8] =	vst v63  }
0x17: {  	_ =	swait.ge [sflag:s13], $0x400  }
0x18: {  	[sflag:s13] =	ssyncset.done $0x0  }
0x19: {  	[sflag:s13] =	ssyncadd.s32 $0xFFFFFC00  }
0x1a: {  	[tilespmem:s15], [sflag:$0x3] =	stream.linear.gather [hbm4b:s8+s4], $0x400, $0x38;
	[tilespmem:$0x110A8] =	vst v63  }
0x1b: {  	_ =	swait.ge [sflag:s13], $0x400  }
0x1c: {  	[sflag:s13] =	ssyncset.done $0x0  }
0x1d: {  	s0 =	simm.s32 $0x40;
	s25 =	simm.s32 $0x0;
	[sflag:s13] =	ssyncadd.s32 $0xFFFFFC00  }
.LBB2_2:
0x1e: {  	p1 =	sne.s32 s0, $0xFC0;
	[tilespmem:s25+$0x1800] =	vst v0;
	s24 =	smov.u32 s0;
	s0 =	sadd.s32 $0x40, s0  }
.Ltmp0:
0x1f: {  	(pc) =	sbr.rel @p1 .LBB2_2-.Ltmp0, $2  }
0x20: {  	_ =	sdelay $0x2  }
0x21: {  	s25 =	sshra.s32 s24, $0x2  }
0x22: {  	s24 =	simm.s32 @!p0 $0x1;
	[tilespmem:s25+$0x1800] =	vst v0;
	s25 =	simm.s32 @!p0 $0x10  }
0x23: {  	s26 =	simm.s32 @!p0 $0x80;
	s28 =	simm.s32 @!p0 $0x1C02;
	s29 =	simm.s32 $0x0  }
0x24: {  	v1 =	vimm.f32 $0.0e+00;
	[spmem:s16@s25], [sflag:s28] =	dma.strided @!p0 [hbm:s9@s26], $0x1E850, s24, $0x10   }
.LBB2_5:
0x25: {  	[bflag:$0x0] =	sbarrier.arrive @p0 $0xFFFF  }
0x26: {  	s0 =	simm.s32 @p0 $0x400;
	s30 =	simm.s32 @p0 $0x0;
	s31 =	simm.s32 @p0 $0xC00  }
0x27: {  	[tilespmem:s31], [sflag:$0x1] =	stream.indirect.gather @p0 [spmem:s3], $0x1, s30, s0, $0xb8;
	[tilespmem:$0x110A8] =	vst v63  }
0x28: {  	s0 =	simm.s32 @p0 $0x1  }
0x29: {  	_ =	swait.ge @p0 [sflag:s0], $0x400  }
0x2a: {  	[sflag:s0] =	ssyncset.done @p0 $0x0  }
0x2b: {  	[sflag:s0] =	ssyncadd.s32 @p0 $0xFFFFFC00  }
0x2c: {  	s0 =	simm.s32 @!p0 $0x2;
	[bflag:$0x0] =	sbarrier.arrive @p0 $0xFFFF  }
0x2d: {  	_ =	swait.ge @!p0 [sflag:s0], $0x1E850  }
0x2e: {  	[sflag:s0] =	ssyncset.done @!p0 $0x0  }
0x2f: {  	s20 =	simm.s32 @!p0 $0xC00;
	s30 =	sadd.s32 s5, s29;
	[sflag:s0] =	ssyncadd.s32 @!p0 $0xFFFE17B0  }
0x30: {  	s31 =	simm.s32 @!p0 $0x0;
	s0 =	simm.s32 @!p0 $0x400;
	[bflag:$0x0] =	sbarrier.arrive @!p0 $0xFFFF  }
0x31: {  	[tilespmem:s20], [sflag:$0x1] =	stream.indirect.gather @!p0 [spmem:s3], $0x1, s31, s0, $0xb8;
	[tilespmem:$0x110A8] =	vst v63  }
0x32: {  	s0 =	sshrl.u32 @!p0 s30, $0x3  }
0x33: {  	s20 =	sshll.u32 @!p0 s29, $0x7;
	s0 =	smul.u32 @!p0 $0x7A1400, s0  }
0x34: {  	_ =	swait.ge @!p0 [sflag:s24], $0x400;
	s20 =	sand.u32 @!p0 $0x380, s20  }
0x35: {  	[sflag:s24] =	ssyncset.done @!p0 $0x0;
	s0 =	sor.u32 @!p0 s20, s0  }
0x36: {  	[sflag:s24] =	ssyncadd.s32 @!p0 $0xFFFFFC00;
	s0 =	sshrl.u32 @!p0 s0, $0x3  }
0x37: {  	s31 =	simm.s32 $0x0;
	[bflag:$0x0] =	sbarrier.arrive @!p0 $0xFFFF;
	s0 =	sadd.s32 @!p0 s2, s0  }
0x38: {  	[spmem:s16@s25], [sflag:s28] =	dma.strided @!p0 [hbm:s0@s26], $0x1E850, s24, $0x10   }
0x39: {  	v2 =	vld [tilespmem:s31+$0xC00]  }
0x3a: {  	s0 =	simm.s32 $0x40  }
.LBB2_6:
0x3b: {  	p1 =	sne.s32 s0, $0xFC0  }
.Ltmp1:
0x3c: {  	_ = 	snop;
	(pc) =	sbr.rel @p1 .LBB2_6-.Ltmp1, $4  }
0x3d: {  	_ = 	snop  }
0x3e: {  	s20 =	sshra.s32 s0, $0x2;
	s0 =	sadd.s32 $0x40, s0;
	v3 =	vmul.f32 v2, v2  }
0x3f: {  	v2 =	vld [tilespmem:s20+$0xC00]  }
0x40: {  	v1 =	vadd.f32 v3, v1  }
0x41: {  	s0 =	simm.s32 @!p0 $0x2  }
0x42: {  	_ =	swait.ge @!p0 [sflag:s0], $0x1E850  }
0x43: {  	[sflag:s0] =	ssyncset.done @!p0 $0x0  }
0x44: {  	[sflag:s0] =	ssyncadd.s32 @!p0 $0xFFFE17B0  }
0x45: {  	p1 =	seq.s32 @!p0 s29, $0x1F;
	[bflag:$0x0] =	sbarrier.arrive $0xFFFF  }
0x46: {  	[tilespmem:s17], [sflag:$0x1] =	stream.indirect.gather [spmem:s3], $0x1, s14, s14, $0xb8;
	[tilespmem:$0x110A8] =	vst v63  }
0x47: {  	p1 =	por p1, p0  }
0x48: {  	[tilespmem:s18], [sflag:$0x1] =	stream.indirect.gather [spmem:s3], $0x1, s15, s14, $0xb8;
	[tilespmem:$0x110A8] =	vst v63  }
0x49: {  	s0 =	sadd.s32 @!p1 $0x1, s30;
	_ =	swait.ge [sflag:s19], $0x400  }
0x4a: {  	s31 =	simm.s32 @!p1 $0x10;
	s20 =	sshrl.u32 @!p1 s0, $0x3;
	[sflag:s19] =	ssyncset.done $0x0  }
0x4b: {  	s0 =	sshll.u32 @!p1 s0, $0x7;
	s20 =	smul.u32 @!p1 $0x7A1400, s20;
	[sflag:s19] =	ssyncadd.s32 $0xFFFFFC00  }
0x4c: {  	s21 =	simm.s32 @!p1 $0x80;
	s0 =	sand.u32 @!p1 $0x380, s0;
	_ =	swait.ge [sflag:s19], $0x400  }
0x4d: {  	s22 =	simm.s32 @!p1 $0x1C02;
	s0 =	sor.u32 @!p1 s0, s20;
	[sflag:s19] =	ssyncset.done $0x0  }
0x4e: {  	s30 =	simm.s32 @!p1 $0x1;
	s0 =	sshrl.u32 @!p1 s0, $0x3;
	[sflag:s19] =	ssyncadd.s32 $0xFFFFFC00  }
0x4f: {  	s20 =	sshrl.u32 @!p1 s3, $0x3;
	s0 =	sadd.s32 @!p1 s1, s0;
	[bflag:$0x0] =	sbarrier.arrive $0xFFFF  }
0x50: {  	[spmem:s20@s31], [sflag:s22] =	dma.strided @!p1 [hbm:s0@s21], $0x1E850, s30, $0x10   }
0x51: {  	s30 =	simm.s32 $0x0  }
0x52: {  	v5 =	vld [tilespmem:s30+$0x1000]  }
0x53: {  	v3 =	vld [tilespmem:s30+$0x1400];
	_ =	sdelay $0x1  }
0x54: {  	v6 =	vld [tilespmem:s30+$0xC00];
	_ =	sdelay $0x1  }
0x55: {  	v4 =	vld [tilespmem:s30+$0x1800]  }
0x56: {  	v2 =	vmul.f32 v2, v2;
	v7 =	vsub.f32 v5, v3  }
0x57: {  	s31 =	simm.s32 $0x10  }
0x58: {  	s29 =	sadd.s32 $0x1, s29;
	v2 =	vadd.f32 v2, v1;
	s0 =	simm.s32 $0x80;
	v1 =	vld [tilespmem:s31+$0x1000];
	v5 =	vmul.f32 v5, v5;
	v6 =	vmul.f32 v7, v6  }
.LBB2_8:
0x59: {  	p1 =	seq.s32 s0, $0xFC0;
	v7 =	vld [tilespmem:s31+$0x1400]  }
0x5a: {  	v3 =	vmul.f32 v3, v3;
	v4 =	vadd.f32 v6, v4;
	v2 =	vadd.f32 v5, v2  }
0x5b: {  	v5 =	vld [tilespmem:s31+$0xC00]  }
.Ltmp2:
0x5c: {  	[tilespmem:s30+$0x1800] =	vst v4;
	v2 =	vadd.f32 v3, v2;
	s30 =	smov.u32 s31;
	(pc) =	sbr.rel @!p1 .LBB2_8-.Ltmp2, $4  }
0x5d: {  	v4 =	vld [tilespmem:s30+$0x1800]  }
0x5e: {  	v6 =	vsub.f32 v1, v7;
	v3 =	vmov v7  }
0x5f: {  	s31 =	sshra.s32 s0, $0x2  }
0x60: {  	s0 =	sadd.s32 $0x40, s0;
	v6 =	vmul.f32 v6, v5;
	v5 =	vmul.f32 v1, v1;
	v1 =	vld [tilespmem:s31+$0x1000]  }
0x61: {  	v7 =	vld [tilespmem:s31+$0x1400]  }
0x62: {  	v4 =	vadd.f32 v6, v4  }
0x63: {  	v62 =	vld [tilespmem:s31+$0xC00]  }
0x64: {  	[tilespmem:s30+$0x1800] =	vst v4  }
0x65: {  	v4 =	vld [tilespmem:s31+$0x1800]  }
0x66: {  	v3 =	vmul.f32 v3, v3;
	v2 =	vadd.f32 v5, v2;
	v63 =	vsub.f32 v1, v7;
	_ =	sdelay $0x1  }
0x67: {  	v2 =	vadd.f32 v3, v2;
	v1 =	vmul.f32 v1, v1;
	v3 =	vmul.f32 v63, v62;
	_ =	sdelay $0x1  }
0x68: {  	v1 =	vadd.f32 v1, v2;
	v2 =	vmul.f32 v7, v7;
	v3 =	vadd.f32 v3, v4;
	_ =	sdelay $0x1  }
0x69: {  	v1 =	vadd.f32 v2, v1;
	[tilespmem:s31+$0x1800] =	vst v3  }
0x6a: {  	p1 =	seq.s32 s29, $0x20  }
.Ltmp3:
0x6b: {  	_ = 	snop;
	(pc) =	sbr.rel @!p1 .LBB2_5-.Ltmp3, $1  }
0x6c: {  	_ =	sdelay $0x3  }
0x6d: {  	[tilespmem:$0x1C00] =	vst v1;
	s0 =	simm.s32 $0x80;
	s20 =	simm.s32 $0x1800  }
0x6e: {  	[hbm4b:s10+s0] =	stream.strided.scatter [tilespmem:s20], [sflag:$0x3], $0x400, s14, s0, $0x38;
	[tilespmem:$0x110A8] =	vst v63  }
0x6f: {  	s23 =	sadd.s32 $0x1, s23;
	_ =	swait.ge [sflag:s13], $0x400  }
0x70: {  	p1 =	sne.s32 s23, s12;
	[sflag:s13] =	ssyncset.done $0x0  }
.Ltmp4:
0x71: {  	s31 =	simm.s32 $0x1C00;
	[sflag:s13] =	ssyncadd.s32 $0xFFFFFC00;
	(pc) =	sbr.rel @p1 .LBB2_1-.Ltmp4, $4  }
0x72: {  	[hbm4b:s11+s4] =	stream.linear.scatter [tilespmem:s31], [sflag:$0x3], $0x80, $0x38;
	[tilespmem:$0x110A8] =	vst v63  }
0x73: {  	_ =	swait.ge [sflag:s13], $0x80  }
0x74: {  	[sflag:s13] =	ssyncset.done $0x0  }
0x75: {  	[sflag:s13] =	ssyncadd.s32 $0xFFFFFF80  }
0x76: {  	_ =	sfence.sel $0x180000  }
0x77: {  	[bflag:$0x0] =	sbarrier.arrive $0xFFFF  }
0x78: {  	_ =	strace $0x90000047  }
0x79: {  	[bflag:$0x2] =	sbarrier.arrive $0xFFFF  }
0x7a: {  	s0 =	rddreg [dreg:$0x4]  }
0x7b: {  	s0 =	sadd.s32 @!p0 $0x100000, s0  }
0x7c: {  	[sflag:s0] =	ssyncadd.tile.s32 @!p0 $0x1;
	_ =	shalt  }
.Lfunc_end2:
_tile_overlayer_lowered:
.L_overlay_start_2:
0x7d: {  	(tag) =	ssettag $0x2  }
0x7e: {  	s0 =	rddreg [dreg:$0x0];
	s2 =	stileid.u32  }
0x7f: {  	s1 =	rddreg [dreg:$0x1];
	p0 =	sne.s32 s2, $0x0  }
0x80: {  	s3 =	rddreg [dreg:$0x2];
	[bflag:$0x3] =	sbarrier.arrive $0xFFFF;
	s2 =	simm.s32 @!p0 $0x1C03  }
0x81: {  	[timem:s3], [sflag:s2] =	dma.local @!p0 [hbm:s0], s1  }
0x82: {  	s0 =	simm.s32 @!p0 $0x3  }
0x83: {  	_ =	swait.ge @!p0 [sflag:s0], s1  }
0x84: {  	s1 =	ssub.s32 @!p0 $0x0, s1;
	[sflag:s0] =	ssyncset.done @!p0 $0x0  }
0x85: {  	[sflag:s0] =	ssyncadd.s32 @!p0 s1  }
0x86: {  	[bflag:$0x3] =	sbarrier.arrive $0xFFFF  }
0x87: {  	_ =	shalt  }

</sc_bundles>
